<compile_context>
chip_gen: v7x
topology: tpu7x:2x2x1
jax: 0.10.2.dev20260603
libtpu: 0.0.44.dev20260713+nightly
codegen_flags: <defaults>
</compile_context>

<pallas_src>
import functools

import jax
import jax.numpy as jnp
from jax import lax
from jax.experimental import pallas as pl
from jax.experimental.pallas import tpu as pltpu
from jax.experimental.pallas import tpu_sc as plsc

_NC = 1
_NS = 16
_L = 16
_NW = _NC * _NS


def _body(n, nchunks, raw_h, lo_h, up_h, code_h, out_h,
          raw_v, lo_v, up_v, code_v, out_v, sem):
    wid = lax.axis_index("s") * _NC + lax.axis_index("c")
    for c_start in range(0, nchunks, _NW):
        c = c_start + wid

        @pl.when(c < nchunks)
        def _():
            base = jnp.minimum(c * _L, n - _L)

            cp0 = pltpu.async_copy(raw_h.at[pl.ds(base, _L)], raw_v, sem)
            cp1 = pltpu.async_copy(lo_h.at[pl.ds(base, _L)], lo_v, sem)
            cp2 = pltpu.async_copy(up_h.at[pl.ds(base, _L)], up_v, sem)
            cp3 = pltpu.async_copy(code_h.at[pl.ds(base, _L)], code_v, sem)
            cp0.wait()
            cp1.wait()
            cp2.wait()
            cp3.wait()

            x = raw_v[...]
            lo = lo_v[...]
            up = up_v[...]
            code = code_v[...]

            e = jnp.exp(-jnp.abs(x))
            s = e / (2.0 + e)
            s2 = s * s
            log1p_e = 2.0 * s * (1.0 + s2 * (1.0 / 3.0 + s2 * (
                0.2 + s2 * (1.0 / 7.0 + s2 * (1.0 / 9.0)))))
            sp = jnp.maximum(x, 0.0) + log1p_e

            inv = 1.0 / (1.0 + e)
            sig = jnp.where(x >= 0.0, inv, e * inv)

            val_both = lo + (up - lo) * sig
            val_lower = lo + sp
            val_upper = up - sp

            res = jnp.where(
                (code & 1) != 0, lo,
                jnp.where(
                    (code & 2) != 0, val_both,
                    jnp.where(
                        (code & 4) != 0, val_lower,
                        jnp.where((code & 8) != 0, val_upper, x))))
            out_v[...] = res
            pltpu.sync_copy(out_v, out_h.at[pl.ds(base, _L)])


@functools.lru_cache(maxsize=None)
def _build(n):
    nchunks = -(-n // _L)
    mesh = plsc.VectorSubcoreMesh(
        core_axis_name="c", subcore_axis_name="s", num_cores=_NC)
    f32, i32 = jnp.float32, jnp.int32
    return pl.kernel(
        functools.partial(_body, n, nchunks),
        out_type=jax.ShapeDtypeStruct((n,), f32),
        mesh=mesh,
        scratch_types=[
            pltpu.VMEM((_L,), f32),
            pltpu.VMEM((_L,), f32),
            pltpu.VMEM((_L,), f32),
            pltpu.VMEM((_L,), i32),
            pltpu.VMEM((_L,), f32),
            pltpu.SemaphoreType.DMA,
        ],
    )


def kernel(raw, lower_val, upper_val, fixed, both, lower_only, upper_only,
           unbounded):
    del unbounded
    n = raw.shape[0]
    pad = 0
    if n < _L or n % 8 != 0:
        pad = max(_L, -(-n // 8) * 8) - n
        z = (0, pad)
        raw = jnp.pad(raw, z)
        lower_val = jnp.pad(lower_val, z)
        upper_val = jnp.pad(upper_val, z)
        fixed = jnp.pad(fixed, z)
        both = jnp.pad(both, z)
        lower_only = jnp.pad(lower_only, z)
        upper_only = jnp.pad(upper_only, z)
    i32 = jnp.int32
    code = (fixed.astype(i32) + 2 * both.astype(i32)
            + 4 * lower_only.astype(i32) + 8 * upper_only.astype(i32))
    out = _build(n + pad)(raw, lower_val, upper_val, code)
    return out[:n] if pad else out

# --- scband reference (transcript-rebuilt; emitter-appended) ---
"""Pipeline reference for scband-vectorized-bounded-parameter-51814485459435 (READ-ONLY COPY).

The authoritative reference and input builder live on the scoring server;
editing this copy changes nothing except your own understanding.
"""

import jax, jax.numpy as jnp
import numpy as np


def _inv_sigmoid(z):
    eps = 1e-06
    z = np.clip(z, eps, 1.0 - eps)
    return np.log(z / (1.0 - z))


def _inv_softplus(y):
    eps = 1e-12
    y = np.maximum(y, eps)
    return np.where(y > 20.0, y, np.log(np.expm1(y)))


def setup_inputs() -> dict:
    cycle_lower = [None, 0.0, None, -1.0, 2.0]
    cycle_upper = [None, None, 1.0, 1.0, 2.0]
    reps = 40
    lower = cycle_lower * reps
    upper = cycle_upper * reps
    n = len(lower)
    lower_val = np.zeros(n, dtype=np.float32)
    upper_val = np.zeros(n, dtype=np.float32)
    has_lower = np.zeros(n, dtype=bool)
    has_upper = np.zeros(n, dtype=bool)
    for i, (lo, hi) in enumerate(zip(lower, upper)):
        if lo is not None:
            lower_val[i] = float(lo)
            has_lower[i] = True
        if hi is not None:
            upper_val[i] = float(hi)
            has_upper[i] = True
    fixed = has_lower & has_upper & np.isclose(lower_val, upper_val)
    both = has_lower & has_upper & ~fixed
    lower_only = has_lower & ~has_upper
    upper_only = ~has_lower & has_upper
    unbounded = ~has_lower & ~has_upper
    # default init (init_value=None path of the torch module)
    init = np.zeros(n, dtype=np.float32)
    init[fixed] = lower_val[fixed]
    init[both] = 0.5 * (lower_val[both] + upper_val[both])
    init[lower_only] = lower_val[lower_only] + 1.0
    init[upper_only] = upper_val[upper_only] - 1.0
    init[unbounded] = 0.0
    # _to_raw
    raw = np.zeros(n, dtype=np.float32)
    z = (init[both] - lower_val[both]) / (upper_val[both] - lower_val[both])
    raw[both] = _inv_sigmoid(z)
    raw[lower_only] = _inv_softplus(init[lower_only] - lower_val[lower_only])
    raw[upper_only] = _inv_softplus(upper_val[upper_only] - init[upper_only])
    raw[unbounded] = init[unbounded]
    return {
        'raw': jnp.asarray(raw, dtype=jnp.float32),
        'lower_val': jnp.asarray(lower_val, dtype=jnp.float32),
        'upper_val': jnp.asarray(upper_val, dtype=jnp.float32),
        'fixed': jnp.asarray(fixed),
        'both': jnp.asarray(both),
        'lower_only': jnp.asarray(lower_only),
        'upper_only': jnp.asarray(upper_only),
        'unbounded': jnp.asarray(unbounded),
    }


def reference(raw, lower_val, upper_val, fixed, both, lower_only, upper_only, unbounded):
    sp = jax.nn.softplus(raw)
    val_both = lower_val + (upper_val - lower_val) * jax.nn.sigmoid(raw)
    val_lower = lower_val + sp
    val_upper = upper_val - sp
    value = jnp.where(
        fixed, lower_val,
        jnp.where(
            both, val_both,
            jnp.where(
                lower_only, val_lower,
                jnp.where(upper_only, val_upper, raw))))
    return value

if __name__ == "__main__":
    import jax
    _d = setup_inputs()
    print(jax.jit(kernel)(*tuple(_d.values())))

</pallas_src>

<mosaic_0001>
#map = affine_map<(d0, d1) -> (0)>
module attributes {stable_mosaic.version = 14 : i64} {
  func.func @_body(%arg0: i32, %arg1: i32, %arg2: memref<200xf32, #tpu.memory_space<hbm>>, %arg3: memref<200xf32, #tpu.memory_space<hbm>>, %arg4: memref<200xf32, #tpu.memory_space<hbm>>, %arg5: memref<200xi32, #tpu.memory_space<hbm>>, %arg6: memref<200xf32, #tpu.memory_space<hbm>>, %arg7: memref<16xf32, #tpu.memory_space<vmem>>, %arg8: memref<16xf32, #tpu.memory_space<vmem>>, %arg9: memref<16xf32, #tpu.memory_space<vmem>>, %arg10: memref<16xi32, #tpu.memory_space<vmem>>, %arg11: memref<16xf32, #tpu.memory_space<vmem>>, %arg12: memref<!tpu.dma_semaphore, #tpu.memory_space<semaphore_mem>>) attributes {dimension_semantics = [#tpu.dimension_semantics<core_parallel>, #tpu.dimension_semantics<subcore_parallel>], iteration_bounds = array<i64: 1, 16>, scalar_prefetch = 0 : i64, scratch_operands = 6 : i64, tpu.core_type = #tpu.core_type<sc_vector_subcore>, window_params = [{transform_indices = #map}, {transform_indices = #map}, {transform_indices = #map}, {transform_indices = #map}, {transform_indices = #map}]} {
    %mul3A = arith.constant 1 : i32
    %mul3A_0 = arith.muli %arg1, %mul3A : i32
    %add3A = arith.addi %mul3A_0, %arg0 : i32
    %add3A_1 = arith.constant 0 : i32
    %add3A_2 = arith.addi %add3A_1, %add3A : i32
    %lt3A = arith.constant 13 : i32
    %lt3A_3 = arith.cmpi slt, %add3A_2, %lt3A : i32
    %convert_element_type3A = arith.extui %lt3A_3 : i1 to i32
    %cond3A = arith.constant 0 : i32
    %cond3A_4 = arith.cmpi ne, %convert_element_type3A, %cond3A : i32
    scf.if %cond3A_4 {
      %mul3A_5 = arith.constant 16 : i32
      %mul3A_6 = arith.muli %add3A_2, %mul3A_5 : i32
      %min3A = arith.constant 184 : i32
      %min3A_7 = arith.minsi %mul3A_6, %min3A : i32
      %dma_start3A = tpu.memref_slice %arg2[%min3A_7] : memref<200xf32, #tpu.memory_space<hbm>> -> memref<16xf32, #tpu.memory_space<hbm>>
      %dma_start3A_8 = tpu.memref_slice %arg2[%min3A_7] : memref<200xf32, #tpu.memory_space<hbm>> -> memref<16xf32, #tpu.memory_space<hbm>>
      tpu.enqueue_dma source(%dma_start3A_8 : memref<16xf32, #tpu.memory_space<hbm>>) target(%arg7 : memref<16xf32, #tpu.memory_space<vmem>>) target_semaphore(%arg12 : memref<!tpu.dma_semaphore, #tpu.memory_space<semaphore_mem>>)
      %dma_start3A_9 = tpu.memref_slice %arg3[%min3A_7] : memref<200xf32, #tpu.memory_space<hbm>> -> memref<16xf32, #tpu.memory_space<hbm>>
      %dma_start3A_10 = tpu.memref_slice %arg3[%min3A_7] : memref<200xf32, #tpu.memory_space<hbm>> -> memref<16xf32, #tpu.memory_space<hbm>>
      tpu.enqueue_dma source(%dma_start3A_10 : memref<16xf32, #tpu.memory_space<hbm>>) target(%arg8 : memref<16xf32, #tpu.memory_space<vmem>>) target_semaphore(%arg12 : memref<!tpu.dma_semaphore, #tpu.memory_space<semaphore_mem>>)
      %dma_start3A_11 = tpu.memref_slice %arg4[%min3A_7] : memref<200xf32, #tpu.memory_space<hbm>> -> memref<16xf32, #tpu.memory_space<hbm>>
      %dma_start3A_12 = tpu.memref_slice %arg4[%min3A_7] : memref<200xf32, #tpu.memory_space<hbm>> -> memref<16xf32, #tpu.memory_space<hbm>>
      tpu.enqueue_dma source(%dma_start3A_12 : memref<16xf32, #tpu.memory_space<hbm>>) target(%arg9 : memref<16xf32, #tpu.memory_space<vmem>>) target_semaphore(%arg12 : memref<!tpu.dma_semaphore, #tpu.memory_space<semaphore_mem>>)
      %dma_start3A_13 = tpu.memref_slice %arg5[%min3A_7] : memref<200xi32, #tpu.memory_space<hbm>> -> memref<16xi32, #tpu.memory_space<hbm>>
      %dma_start3A_14 = tpu.memref_slice %arg5[%min3A_7] : memref<200xi32, #tpu.memory_space<hbm>> -> memref<16xi32, #tpu.memory_space<hbm>>
      tpu.enqueue_dma source(%dma_start3A_14 : memref<16xi32, #tpu.memory_space<hbm>>) target(%arg10 : memref<16xi32, #tpu.memory_space<vmem>>) target_semaphore(%arg12 : memref<!tpu.dma_semaphore, #tpu.memory_space<semaphore_mem>>)
      %dma_wait3A = tpu.memref_slice %arg2[%min3A_7] : memref<200xf32, #tpu.memory_space<hbm>> -> memref<16xf32, #tpu.memory_space<hbm>>
      %dma_wait3A_15 = tpu.memref_slice %arg2[%min3A_7] : memref<200xf32, #tpu.memory_space<hbm>> -> memref<16xf32, #tpu.memory_space<hbm>>
      tpu.wait_dma2 semaphore(%arg12 : memref<!tpu.dma_semaphore, #tpu.memory_space<semaphore_mem>>) src(%dma_wait3A_15 : memref<16xf32, #tpu.memory_space<hbm>>) dst(%arg7 : memref<16xf32, #tpu.memory_space<vmem>>)
      %dma_wait3A_16 = tpu.memref_slice %arg3[%min3A_7] : memref<200xf32, #tpu.memory_space<hbm>> -> memref<16xf32, #tpu.memory_space<hbm>>
      %dma_wait3A_17 = tpu.memref_slice %arg3[%min3A_7] : memref<200xf32, #tpu.memory_space<hbm>> -> memref<16xf32, #tpu.memory_space<hbm>>
      tpu.wait_dma2 semaphore(%arg12 : memref<!tpu.dma_semaphore, #tpu.memory_space<semaphore_mem>>) src(%dma_wait3A_17 : memref<16xf32, #tpu.memory_space<hbm>>) dst(%arg8 : memref<16xf32, #tpu.memory_space<vmem>>)
      %dma_wait3A_18 = tpu.memref_slice %arg4[%min3A_7] : memref<200xf32, #tpu.memory_space<hbm>> -> memref<16xf32, #tpu.memory_space<hbm>>
      %dma_wait3A_19 = tpu.memref_slice %arg4[%min3A_7] : memref<200xf32, #tpu.memory_space<hbm>> -> memref<16xf32, #tpu.memory_space<hbm>>
      tpu.wait_dma2 semaphore(%arg12 : memref<!tpu.dma_semaphore, #tpu.memory_space<semaphore_mem>>) src(%dma_wait3A_19 : memref<16xf32, #tpu.memory_space<hbm>>) dst(%arg9 : memref<16xf32, #tpu.memory_space<vmem>>)
      %dma_wait3A_20 = tpu.memref_slice %arg5[%min3A_7] : memref<200xi32, #tpu.memory_space<hbm>> -> memref<16xi32, #tpu.memory_space<hbm>>
      %dma_wait3A_21 = tpu.memref_slice %arg5[%min3A_7] : memref<200xi32, #tpu.memory_space<hbm>> -> memref<16xi32, #tpu.memory_space<hbm>>
      tpu.wait_dma2 semaphore(%arg12 : memref<!tpu.dma_semaphore, #tpu.memory_space<semaphore_mem>>) src(%dma_wait3A_21 : memref<16xi32, #tpu.memory_space<hbm>>) dst(%arg10 : memref<16xi32, #tpu.memory_space<vmem>>)
      %get3A = arith.constant 0 : index
      %get3A_22 = tpu.vector_load %arg7[%get3A] {strides = array<i32>} : memref<16xf32, #tpu.memory_space<vmem>>, vector<16xf32>,
      %get3A_23 = vector.shape_cast %get3A_22 : vector<16xf32> to vector<16xf32>
      %get3A_24 = arith.constant 0 : index
      %get3A_25 = tpu.vector_load %arg8[%get3A_24] {strides = array<i32>} : memref<16xf32, #tpu.memory_space<vmem>>, vector<16xf32>,
      %get3A_26 = vector.shape_cast %get3A_25 : vector<16xf32> to vector<16xf32>
      %get3A_27 = arith.constant 0 : index
      %get3A_28 = tpu.vector_load %arg9[%get3A_27] {strides = array<i32>} : memref<16xf32, #tpu.memory_space<vmem>>, vector<16xf32>,
      %get3A_29 = vector.shape_cast %get3A_28 : vector<16xf32> to vector<16xf32>
      %get3A_30 = arith.constant 0 : index
      %get3A_31 = tpu.vector_load %arg10[%get3A_30] {strides = array<i32>} : memref<16xi32, #tpu.memory_space<vmem>>, vector<16xi32>,
      %get3A_32 = vector.shape_cast %get3A_31 : vector<16xi32> to vector<16xi32>
      %abs3A = math.absf %get3A_23 : vector<16xf32>
      %neg3A = arith.constant 0.000000e+00 : f32
      %neg3A_33 = vector.broadcast %neg3A : f32 to vector<16xf32>
      %neg3A_34 = arith.subf %neg3A_33, %abs3A : vector<16xf32>
      %exp3A = math.exp %neg3A_34 : vector<16xf32>
      %add3A_35 = arith.constant 2.000000e+00 : f32
      %add3A_36 = vector.broadcast %add3A_35 : f32 to vector<16xf32>
      %add3A_37 = arith.addf %add3A_36, %exp3A : vector<16xf32>
      %div3A = arith.divf %exp3A, %add3A_37 : vector<16xf32>
      %mul3A_38 = arith.mulf %div3A, %div3A : vector<16xf32>
      %mul3A_39 = arith.constant 2.000000e+00 : f32
      %mul3A_40 = vector.broadcast %mul3A_39 : f32 to vector<16xf32>
      %mul3A_41 = arith.mulf %mul3A_40, %div3A : vector<16xf32>
      %mul3A_42 = arith.constant 0.111111112 : f32
      %mul3A_43 = vector.broadcast %mul3A_42 : f32 to vector<16xf32>
      %mul3A_44 = arith.mulf %mul3A_38, %mul3A_43 : vector<16xf32>
      %add3A_45 = arith.constant 0.142857149 : f32
      %add3A_46 = vector.broadcast %add3A_45 : f32 to vector<16xf32>
      %add3A_47 = arith.addf %add3A_46, %mul3A_44 : vector<16xf32>
      %mul3A_48 = arith.mulf %mul3A_38, %add3A_47 : vector<16xf32>
      %add3A_49 = arith.constant 2.000000e-01 : f32
      %add3A_50 = vector.broadcast %add3A_49 : f32 to vector<16xf32>
      %add3A_51 = arith.addf %add3A_50, %mul3A_48 : vector<16xf32>
      %mul3A_52 = arith.mulf %mul3A_38, %add3A_51 : vector<16xf32>
      %add3A_53 = arith.constant 0.333333343 : f32
      %add3A_54 = vector.broadcast %add3A_53 : f32 to vector<16xf32>
      %add3A_55 = arith.addf %add3A_54, %mul3A_52 : vector<16xf32>
      %mul3A_56 = arith.mulf %mul3A_38, %add3A_55 : vector<16xf32>
      %add3A_57 = arith.constant 1.000000e+00 : f32
      %add3A_58 = vector.broadcast %add3A_57 : f32 to vector<16xf32>
      %add3A_59 = arith.addf %add3A_58, %mul3A_56 : vector<16xf32>
      %mul3A_60 = arith.mulf %mul3A_41, %add3A_59 : vector<16xf32>
      %max3A = arith.constant 0.000000e+00 : f32
      %max3A_61 = vector.broadcast %max3A : f32 to vector<16xf32>
      %max3A_62 = arith.maximumf %get3A_23, %max3A_61 : vector<16xf32>
      %add3A_63 = arith.addf %max3A_62, %mul3A_60 : vector<16xf32>
      %add3A_64 = arith.constant 1.000000e+00 : f32
      %add3A_65 = vector.broadcast %add3A_64 : f32 to vector<16xf32>
      %add3A_66 = arith.addf %add3A_65, %exp3A : vector<16xf32>
      %div3A_67 = arith.constant 1.000000e+00 : f32
      %div3A_68 = vector.broadcast %div3A_67 : f32 to vector<16xf32>
      %div3A_69 = arith.divf %div3A_68, %add3A_66 : vector<16xf32>
      %ge3A = arith.constant 0.000000e+00 : f32
      %ge3A_70 = vector.broadcast %ge3A : f32 to vector<16xf32>
      %ge3A_71 = arith.cmpf oge, %get3A_23, %ge3A_70 : vector<16xf32>
      %mul3A_72 = arith.mulf %exp3A, %div3A_69 : vector<16xf32>
      %select_n3A = arith.select %ge3A_71, %div3A_69, %mul3A_72 : vector<16xi1>, vector<16xf32>
      %sub3A = arith.subf %get3A_29, %get3A_26 : vector<16xf32>
      %mul3A_73 = arith.mulf %sub3A, %select_n3A : vector<16xf32>
      %add3A_74 = arith.addf %get3A_26, %mul3A_73 : vector<16xf32>
      %add3A_75 = arith.addf %get3A_26, %add3A_63 : vector<16xf32>
      %sub3A_76 = arith.subf %get3A_29, %add3A_63 : vector<16xf32>
      %and3A = arith.constant 1 : i32
      %and3A_77 = vector.broadcast %and3A : i32 to vector<16xi32>
      %and3A_78 = arith.andi %get3A_32, %and3A_77 : vector<16xi32>
      %ne3A = arith.constant 0 : i32
      %ne3A_79 = vector.broadcast %ne3A : i32 to vector<16xi32>
      %ne3A_80 = arith.cmpi ne, %and3A_78, %ne3A_79 : vector<16xi32>
      %and3A_81 = arith.constant 2 : i32
      %and3A_82 = vector.broadcast %and3A_81 : i32 to vector<16xi32>
      %and3A_83 = arith.andi %get3A_32, %and3A_82 : vector<16xi32>
      %ne3A_84 = arith.constant 0 : i32
      %ne3A_85 = vector.broadcast %ne3A_84 : i32 to vector<16xi32>
      %ne3A_86 = arith.cmpi ne, %and3A_83, %ne3A_85 : vector<16xi32>
      %and3A_87 = arith.constant 4 : i32
      %and3A_88 = vector.broadcast %and3A_87 : i32 to vector<16xi32>
      %and3A_89 = arith.andi %get3A_32, %and3A_88 : vector<16xi32>
      %ne3A_90 = arith.constant 0 : i32
      %ne3A_91 = vector.broadcast %ne3A_90 : i32 to vector<16xi32>
      %ne3A_92 = arith.cmpi ne, %and3A_89, %ne3A_91 : vector<16xi32>
      %and3A_93 = arith.constant 8 : i32
      %and3A_94 = vector.broadcast %and3A_93 : i32 to vector<16xi32>
      %and3A_95 = arith.andi %get3A_32, %and3A_94 : vector<16xi32>
      %ne3A_96 = arith.constant 0 : i32
      %ne3A_97 = vector.broadcast %ne3A_96 : i32 to vector<16xi32>
      %ne3A_98 = arith.cmpi ne, %and3A_95, %ne3A_97 : vector<16xi32>
      %select_n3A_99 = arith.select %ne3A_98, %sub3A_76, %get3A_23 : vector<16xi1>, vector<16xf32>
      %select_n3A_100 = arith.select %ne3A_92, %add3A_75, %select_n3A_99 : vector<16xi1>, vector<16xf32>
      %select_n3A_101 = arith.select %ne3A_86, %add3A_74, %select_n3A_100 : vector<16xi1>, vector<16xf32>
      %select_n3A_102 = arith.select %ne3A_80, %get3A_26, %select_n3A_101 : vector<16xi1>, vector<16xf32>
      %swap3A = arith.constant 0 : index
      %swap3A_103 = tpu.vector_load %arg11[%swap3A] {strides = array<i32>} : memref<16xf32, #tpu.memory_space<vmem>>, vector<16xf32>,
      %swap3A_104 = vector.shape_cast %swap3A_103 : vector<16xf32> to vector<16xf32>
      %swap3A_105 = vector.shape_cast %select_n3A_102 : vector<16xf32> to vector<16xf32>
      tpu.vector_store %arg11[%swap3A], %swap3A_105 {strides = array<i32>} : memref<16xf32, #tpu.memory_space<vmem>>, vector<16xf32>,
      "tpu.region"() ({
        %run_scoped3A = tpu.sem_alloc : memref<!tpu.dma_semaphore, #tpu.memory_space<semaphore_mem>>
        %dma_start3A_106 = tpu.memref_slice %arg6[%min3A_7] : memref<200xf32, #tpu.memory_space<hbm>> -> memref<16xf32, #tpu.memory_space<hbm>>
        %dma_start3A_107 = tpu.memref_slice %arg6[%min3A_7] : memref<200xf32, #tpu.memory_space<hbm>> -> memref<16xf32, #tpu.memory_space<hbm>>
        tpu.enqueue_dma source(%arg11 : memref<16xf32, #tpu.memory_space<vmem>>) target(%dma_start3A_107 : memref<16xf32, #tpu.memory_space<hbm>>) target_semaphore(%run_scoped3A : memref<!tpu.dma_semaphore, #tpu.memory_space<semaphore_mem>>)
        %dma_wait3A_108 = tpu.memref_slice %arg6[%min3A_7] : memref<200xf32, #tpu.memory_space<hbm>> -> memref<16xf32, #tpu.memory_space<hbm>>
        %dma_wait3A_109 = tpu.memref_slice %arg6[%min3A_7] : memref<200xf32, #tpu.memory_space<hbm>> -> memref<16xf32, #tpu.memory_space<hbm>>
        tpu.wait_dma2 semaphore(%run_scoped3A : memref<!tpu.dma_semaphore, #tpu.memory_space<semaphore_mem>>) src(%arg11 : memref<16xf32, #tpu.memory_space<vmem>>) dst(%dma_wait3A_109 : memref<16xf32, #tpu.memory_space<hbm>>)
        tpu.yield
      }) : () -> ()
    } else {
    }
    return
  }
}

</mosaic_0001>

<sc_bundles>
// kernel: kernel.3.cloned.1.call-start
scs
__scs_entry_jumppad:
0x0: {  	(pc) =	sbr.rel $0x88, $3  }
0x1: {  	(tag) =	ssettag $0x0;
	lr =	simm.s32 $0x1  }
0x2: {  	[smem:$0x3F9A] =	sst lr;
	_ =	strace $0xD0000000  }
0x3: {  	_ = 	snop  }
0x4: {  	_ = 	snop  }
0x5: {  	_ = 	snop  }
0x6: {  	_ = 	snop  }
0x7: {  	_ = 	snop  }
__scs_overlays_trampoline_lowered:
0x8: {  	[smem:$0x3FA9] =	sst s0  }
0x9: {  	[smem:$0x3FAA] =	sst s1  }
0xa: {  	[smem:$0x3FAB] =	sst s2  }
0xb: {  	[smem:$0x3FAC] =	sst s3  }
0xc: {  	[smem:$0x3FAD] =	sst s4  }
0xd: {  	[smem:$0x3FAE] =	sst s5  }
0xe: {  	[smem:$0x3FAF] =	sst s6  }
0xf: {  	[smem:$0x3FB0] =	sst s7  }
0x10: {  	[smem:$0x3FB1] =	sst s8  }
0x11: {  	[smem:$0x3FB2] =	sst s9;
	s0 =	simm.s32 @!p0 $0x0  }
0x12: {  	s1 =	sld [smem:$0x3F98];
	s0 =	simm.s32 @p0 $0x1  }
0x13: {  	[smem:$0x3FB3] =	sst s0;
	s0 =	simm.s32 @!p1 $0x0  }
0x14: {  	s2 =	sld [smem:$0x3F97];
	s0 =	simm.s32 @p1 $0x1  }
0x15: {  	[smem:$0x3FB4] =	sst s0;
	s0 =	simm.s32 @!p2 $0x0  }
0x16: {  	s3 =	sld [smem:$0x3FDB];
	s0 =	simm.s32 @p2 $0x1  }
0x17: {  	s4 =	simm.s32 $0x1BF5;
	[smem:$0x3FB6] =	sst s0  }
0x18: {  	s0 =	sld [smem:$0x3F99];
	_ =	swait.ge [sflag:s4], $0x0  }
0x19: {  	s7 =	sld [smem:$0x3F9A]  }
0x1a: {  	s8 =	sadd.s32 $0xFFFFE003, lr  }
0x1b: {  	s9 =	sadd.s32 $0xFFFFFEF7, lr;
	s5 =	simm.s32 $0xFFFFFFFF;
	p2 =	slt.u32 s8, $0xFFFFF086  }
0x1c: {  	p1 =	slt.u32 s9, $0xF7A;
	s5 =	simm.s32 @!p2 $0x0  }
0x1d: {  	s5 =	simm.s32 @p1 $0x1;
	p0 =	seq.s32 s7, s2  }
0x1e: {  	s7 =	smul.u32 @!p0 $0xF7A, s2;
	p2 =	seq.s32 @!p0 s5, $0x0  }
0x1f: {  	s9 =	smul.u32 $0xF7A, s1;
	s8 =	simm.s32 @!p0 $0x1BF5;
	p2 =	por !p2, p0  }
0x20: {  	[sflag:s8] =	ssyncset.s32 @!p0 $0xFFFFF086;
	s6 =	sadd.s32 @!p0 s3, s7;
	s7 =	simm.s32 @!p0 $0x108  }
0x21: {  	s3 =	sadd.s32 s3, s9;
	s6 =	sadd.s32 @!p0 $0x88, s6;
	s7 =	simm.s32 @p2 $0x1082  }
0x22: {  	[simem:s7], [sflag:s8] =	dma.local @!p0 [hbm:s6], $0xF7A  }
0x23: {  	s9 =	sor.u32 $0xD0000000, s2;
	s6 =	simm.s32 $0x108;
	_ =	swait.ge @!p0 [sflag:s8], $0x0  }
0x24: {  	s3 =	sadd.s32 $0x88, s3;
	s6 =	simm.s32 @!p1 $0x1082;
	[sflag:s4] =	ssyncset.s32 $0xFFFFF086  }
0x25: {  	[simem:s6], [sflag:s4] =	dma.local [hbm:s3], $0xF7A  }
0x26: {  	[smem:$0x3F9A] =	sst s1;
	(tag) =	ssettag s2;
	_ =	strace s9  }
0x27: {  	s1 =	sld [smem:$0x3FAA]  }
0x28: {  	s2 =	sld [smem:$0x3FAB]  }
0x29: {  	s4 =	sld [smem:$0x3FAD]  }
0x2a: {  	p0 =	seq.s32 s5, $0x0;
	s5 =	sld [smem:$0x3FAE]  }
0x2b: {  	s6 =	sld [smem:$0x3FAF]  }
0x2c: {  	s7 =	sld [smem:$0x3FB0]  }
0x2d: {  	s3 =	simm.s32 $0x108;
	s8 =	sld [smem:$0x3FB1]  }
0x2e: {  	s3 =	simm.s32 @!p0 $0x1082;
	s9 =	sld [smem:$0x3FB2]  }
0x2f: {  	lr =	sadd.s32 s0, s3;
	s0 =	sld [smem:$0x3FA9]  }
0x30: {  	s3 =	sld [smem:$0x3FAC]  }
0x31: {  	[smem:$0x3FB5] =	sst s10  }
0x32: {  	s10 =	sld [smem:$0x3FB3];
	_ =	sdelay $0x3  }
0x33: {  	p0 =	seq.s32 s10, $0x1;
	s10 =	sld [smem:$0x3FB5];
	_ =	sdelay $0x3  }
0x34: {  	[smem:$0x3FB5] =	sst s10  }
0x35: {  	s10 =	sld [smem:$0x3FB4];
	_ =	sdelay $0x3  }
0x36: {  	p1 =	seq.s32 s10, $0x1;
	s10 =	sld [smem:$0x3FB5];
	_ =	sdelay $0x3  }
0x37: {  	[smem:$0x3FB5] =	sst s10  }
0x38: {  	s10 =	sld [smem:$0x3FB6]  }
0x39: {  	_ = 	snop;
	(pc) =	sbr.ind lr, $3  }
0x3a: {  	_ = 	snop  }
0x3b: {  	_ = 	snop  }
0x3c: {  	p2 =	seq.s32 s10, $0x1;
	s10 =	sld [smem:$0x3FB5]  }
0x3d: {  	_ =	shalt  }
0x3e: {  	_ =	shalt  }
0x3f: {  	_ =	shalt  }
0x40: {  	_ =	shalt  }
0x41: {  	_ =	shalt  }
0x42: {  	_ =	shalt  }
0x43: {  	_ =	shalt  }
0x44: {  	_ =	shalt  }
0x45: {  	_ =	shalt  }
0x46: {  	_ =	shalt  }
0x47: {  	_ =	shalt  }
0x48: {  	_ =	shalt  }
0x49: {  	_ =	shalt  }
0x4a: {  	_ =	shalt  }
0x4b: {  	_ =	shalt  }
0x4c: {  	_ =	shalt  }
0x4d: {  	_ =	shalt  }
0x4e: {  	_ =	shalt  }
0x4f: {  	_ =	shalt  }
0x50: {  	_ =	shalt  }
0x51: {  	_ =	shalt  }
0x52: {  	_ =	shalt  }
0x53: {  	_ =	shalt  }
0x54: {  	_ =	shalt  }
0x55: {  	_ =	shalt  }
0x56: {  	_ =	shalt  }
0x57: {  	_ =	shalt  }
0x58: {  	_ =	shalt  }
0x59: {  	_ =	shalt  }
0x5a: {  	_ =	shalt  }
0x5b: {  	_ =	shalt  }
0x5c: {  	_ =	shalt  }
0x5d: {  	_ =	shalt  }
0x5e: {  	_ =	shalt  }
0x5f: {  	_ =	shalt  }
0x60: {  	_ =	shalt  }
0x61: {  	_ =	shalt  }
0x62: {  	_ =	shalt  }
0x63: {  	_ =	shalt  }
0x64: {  	_ =	shalt  }
0x65: {  	_ =	shalt  }
0x66: {  	_ =	shalt  }
0x67: {  	_ =	shalt  }
0x68: {  	_ =	shalt  }
0x69: {  	_ =	shalt  }
0x6a: {  	_ =	shalt  }
0x6b: {  	_ =	shalt  }
0x6c: {  	_ =	shalt  }
0x6d: {  	_ =	shalt  }
0x6e: {  	_ =	shalt  }
0x6f: {  	_ =	shalt  }
0x70: {  	_ =	shalt  }
0x71: {  	_ =	shalt  }
0x72: {  	_ =	shalt  }
0x73: {  	_ =	shalt  }
0x74: {  	_ =	shalt  }
0x75: {  	_ =	shalt  }
0x76: {  	_ =	shalt  }
0x77: {  	_ =	shalt  }
0x78: {  	_ =	shalt  }
0x79: {  	_ =	shalt  }
0x7a: {  	_ =	shalt  }
0x7b: {  	_ =	shalt  }
0x7c: {  	_ =	shalt  }
0x7d: {  	_ =	shalt  }
0x7e: {  	_ =	shalt  }
0x7f: {  	_ =	shalt  }
0x80: {  	_ =	shalt  }
0x81: {  	_ =	shalt  }
0x82: {  	_ =	shalt  }
0x83: {  	_ =	shalt  }
0x84: {  	_ =	shalt  }
0x85: {  	_ =	shalt  }
0x86: {  	_ =	shalt  }
0x87: {  	_ =	shalt  }
.Lfunc_end0:
.L_simem_size_0:
called_computation_lowered:
.L_overlay_start_0:
0x88: {  	s0 =	sld [smem:$0x3FD9]  }
0x89: {  	s1 =	sld [smem:$0x3FFE];
	_ =	sdelay $0x3  }
0x8a: {  	s0 =	sadd.s32 s1, s0  }
0x8b: {  	[smem:$0x3FC1] =	sst s0  }
0x8c: {  	_ = 	snop  }
0x8d: {  	s0 =	sld [smem:$0x3FC9]  }
0x8e: {  	s16 =	sld [smem:$0x3FC8]  }
0x8f: {  	s2 =	sld [smem:$0x3FC7]  }
0x90: {  	s3 =	sld [smem:$0x3FD0];
	(tm) =	ssettm $0x1  }
0x91: {  	s4 =	sld [smem:$0x3FFB];
	_ =	sdelay $0x3  }
0x92: {  	_ =	strace s4  }
0x93: {  	s4 =	sld [smem:$0x3FFC];
	_ =	sdelay $0x3  }
0x94: {  	_ =	strace s4  }
0x95: {  	s4 =	sld [smem:$0x3FFD];
	_ =	sdelay $0x3  }
0x96: {  	_ =	strace s4  }
0x97: {  	_ =	strace $0x8FFFFFFF  }
0x98: {  	s17 =	sld [smem:$0x3FDB];
	_ =	sdelay $0x1  }
0x99: {  	s5 =	simm.s32 $_scs_section_size  }
0x9a: {  	s6 =	simm.s32 $_size__tile_overlayer_lowered;
	s7 =	simm.s32 $_tile_overlayer_lowered  }
0x9b: {  	s20 =	simm.s32 $0x1BFF;
	s19 =	sshll.u32 s7, $0x1;
	s4 =	sadd.s32 s5, s17  }
0x9c: {  	s8 =	simm.s32 $0x0;
	s18 =	sshll.u32 s6, $0x1;
	s6 =	sadd.s32 s19, s4  }
0x9d: {  	[timem:s8], [sflag:s20] =	dma.local [hbm:s6], s18  }
0x9e: {  	_ =	swait.ge [sflag:s20], s18  }
0x9f: {  	s5 =	ssub.s32 $0x0, s18;
	[sflag:s20] =	ssyncset.done $0x0  }
0xa0: {  	[sflag:s20] =	ssyncadd.s32 s5;
	_ =	sdelay $0x1  }
0xa1: {  	s21 =	simm.s32 $0x1B8B  }
0xa2: {  	_ =	swait.ge [sflag:s21], $0x1  }
0xa3: {  	[sflag:s21] =	ssyncset.done $0x0  }
0xa4: {  	s23 =	simm.s32 $0x1B8E;
	s22 =	sld [smem:$0x3FFE];
	[sflag:s21] =	ssyncadd.s32 $0xFFFFFFFF  }
0xa5: {  	s24 =	simm.s32 $execute0_lowered;
	[smem:$0x3FD2] =	sst s23  }
0xa6: {  	s6 =	sshll.u32 s24, $0x1;
	_ =	strace $0x80000046;
	[dreg:$0x1] =	wrdreg $0xFFFFFFFF  }
0xa7: {  	s25 =	simm.s32 $_size_execute0_lowered;
	s4 =	sadd.s32 s4, s6;
	[dreg:$0x0] =	wrdreg $0x0  }
0xa8: {  	s6 =	sshll.u32 s25, $0x1;
	[dreg:$0x2] =	wrdreg s4  }
0xa9: {  	[dreg:$0x3] =	wrdreg s6  }
0xaa: {  	[dreg:$0x4] =	wrdreg $0xC0  }
0xab: {  	_ =	task [dreg:s8], $0x5FFFF  }
0xac: {  	[dreg:$0x1] =	wrdreg $0xFFFFFFFF  }
0xad: {  	[dreg:$0x0] =	wrdreg $0x60  }
0xae: {  	[dreg:$0x2] =	wrdreg s0  }
0xaf: {  	[dreg:$0x3] =	wrdreg s16  }
0xb0: {  	[dreg:$0x4] =	wrdreg s2  }
0xb1: {  	[dreg:$0x5] =	wrdreg s22  }
0xb2: {  	[dreg:$0x6] =	wrdreg s3  }
0xb3: {  	[dreg:$0x7] =	wrdreg $0x9  }
0xb4: {  	_ =	task.clear_ibuf [dreg:s8], $0x8FFFF;
	_ =	strace $0x90000046  }
0xb5: {  	s26 =	simm.s32 $0x9;
	_ =	strace $0x80000048  }
0xb6: {  	_ =	swait.ge [sflag:s26], $0x1  }
0xb7: {  	[sflag:s26] =	ssyncadd.s32 $0xFFFFFFFF  }
0xb8: {  	_ =	strace $0x90000048  }
0xb9: {  	_ =	sfence  }
0xba: {  	s28 =	sld [smem:$0x0];
	_ =	sdelay $0x1  }
0xbb: {  	s29 =	srdreg.scid  }
0xbc: {  	s30 =	sshll.u32 s29, $0xD;
	s31 =	sshrl.u32 s29, $0x2  }
0xbd: {  	s1 =	sand.u32 $0x1, s29;
	s2 =	sand.u32 $0x4000, s30;
	s0 =	sadd.s32 s31, s28  }
0xbe: {  	s1 =	sor.u32 s2, s1;
	s0 =	sshll.u32 s0, $0x11  }
0xbf: {  	s0 =	sor.u32 s0, s1  }
0xc0: {  	s0 =	sadd.s32 $0x8F2B, s0  }
0xc1: {  	[sflag:s0] =	ssyncadd.remote.s32 $0x1  }
0xc2: {  	_ =	sfence.sel $0xFFFF  }
0xc3: {  	[dreg:$0x0] =	wrdreg $0xFFFFFFFF;
	(pc) =	sbr.abs _section_cstart, $3  }
0xc4: {  	[dreg:$0x1] =	wrdreg $0xFFFFFFFF  }
0xc5: {  	_ =	task.clear_ibuf [dreg:s8], $0x2FFFF;
	_ =	strace $0x9FFFFFFF  }
0xc6: {  	(tm) =	ssettm $0x7FFFFFFF  }
0xc7: {  	_ =	shalt  }
tec
execute0_lowered:
.L_overlay_start_1:
0x0: {  	(tag) =	ssettag $0x1  }
0x1: {  	s8 =	rddreg [dreg:$0x0];
	s1 =	stileid.u32  }
0x2: {  	s7 =	rddreg [dreg:$0x1];
	p0 =	sgt.u32 s1, $0xC  }
.Ltmp0:
0x3: {  	s5 =	rddreg [dreg:$0x2];
	(pc) =	sbr.rel @p0 .LBB2_2-.Ltmp0, $4  }
0x4: {  	s6 =	rddreg [dreg:$0x3]  }
0x5: {  	s3 =	rddreg [dreg:$0x4];
	s2 =	simm.s32 $0x0  }
0x6: {  	[smem:$0x7FF] =	sst s2  }
0x7: {  	s0 =	rddreg [dreg:$0x5];
	_ =	strace $0x80000047  }
0x8: {  	s4 =	sshll.u32 s1, $0x4  }
0x9: {  	s4 =	smin.u32 s4, $0xB8  }
0xa: {  	s4 =	sshrl.u32 s4, $0x3  }
0xb: {  	s8 =	sadd.s32 s8, s4  }
0xc: {  	[tilespmem:s2], [sflag:$0x1] =	stream.linear.gather [hbm4b:s8+s2], $0x10, $0x38;
	[tilespmem:$0x280] =	vst v63  }
0xd: {  	s24 =	simm.s32 $0x80;
	s7 =	sadd.s32 s7, s4  }
0xe: {  	[tilespmem:s24], [sflag:$0x1] =	stream.linear.gather [hbm4b:s7+s2], $0x10, $0x38;
	[tilespmem:$0x280] =	vst v63  }
0xf: {  	s6 =	sadd.s32 $0xA00, s6;
	s25 =	simm.s32 $0x100;
	s5 =	sadd.s32 s5, s4  }
0x10: {  	[tilespmem:s25], [sflag:$0x1] =	stream.linear.gather [hbm4b:s5+s2], $0x10, $0x38;
	[tilespmem:$0x280] =	vst v63  }
0x11: {  	s28 =	simm.s32 $0x180;
	s29 =	simm.s32 $0x1;
	s26 =	sadd.s32 s6, s4  }
0x12: {  	[tilespmem:s28], [sflag:$0x1] =	stream.linear.gather [hbm4b:s26+s2], $0x10, $0x38;
	[tilespmem:$0x280] =	vst v63  }
0x13: {  	_ =	swait.ge [sflag:s29], $0x10  }
0x14: {  	[sflag:s29] =	ssyncset.done $0x0  }
0x15: {  	[sflag:s29] =	ssyncadd.s32 $0xFFFFFFF0  }
0x16: {  	_ =	swait.ge [sflag:s29], $0x10  }
0x17: {  	[sflag:s29] =	ssyncset.done $0x0  }
0x18: {  	[sflag:s29] =	ssyncadd.s32 $0xFFFFFFF0  }
0x19: {  	_ =	swait.ge [sflag:s29], $0x10  }
0x1a: {  	[sflag:s29] =	ssyncset.done $0x0  }
0x1b: {  	[sflag:s29] =	ssyncadd.s32 $0xFFFFFFF0  }
0x1c: {  	_ =	swait.ge [sflag:s29], $0x10  }
0x1d: {  	[sflag:s29] =	ssyncset.done $0x0  }
0x1e: {  	[sflag:s29] =	ssyncadd.s32 $0xFFFFFFF0  }
0x1f: {  	v0 =	vld [tilespmem:$0x0];
	_ =	sdelay $0x4  }
0x20: {  	v1 =	vand.u32 $0x7FFFFFFF, v0  }
0x21: {  	v1 =	vsub.f32 $0.0e+00, v1;
	_ =	sdelay $0x1  }
0x22: {  	v1 =	vmul.f32 $1.442695020e+00, v1;
	_ =	sdelay $0x1  }
0x23: {  	(erf) = vpow2.f32 v1;
	_ =	sdelay $0x8  }
0x24: {  	v1 =	vpop (erf)  }
0x25: {  	v2 =	vadd.f32 $2.000000000e+00, v1;
	_ =	sdelay $0x1  }
0x26: {  	(erf) = vrcp.f32 v2;
	_ =	sdelay $0x8  }
0x27: {  	v2 =	vpop (erf)  }
0x28: {  	v2 =	vmul.f32 v2, v1;
	_ =	sdelay $0x1  }
0x29: {  	v3 =	vmul.f32 v2, v2;
	_ =	sdelay $0x1  }
0x2a: {  	v4 =	vmul.f32 $1.111111120e-01, v3;
	_ =	sdelay $0x1  }
0x2b: {  	v4 =	vadd.f32 $1.428571490e-01, v4;
	_ =	sdelay $0x1  }
0x2c: {  	v4 =	vmul.f32 v4, v3  }
0x2d: {  	v5 =	vadd.f32 $1.000000000e+00, v1  }
0x2e: {  	v4 =	vadd.f32 $2.000000030e-01, v4  }
0x2f: {  	(erf) = vrcp.f32 v5  }
0x30: {  	v4 =	vmul.f32 v4, v3;
	_ =	sdelay $0x1  }
0x31: {  	v4 =	vadd.f32 $3.333333430e-01, v4;
	_ =	sdelay $0x1  }
0x32: {  	v55 =	vld [tilespmem:$0x80];
	v3 =	vmul.f32 v4, v3  }
0x33: {  	v6 =	vld [tilespmem:$0x100]  }
0x34: {  	v7 =	vld [tilespmem:$0x180];
	v2 =	vadd.f32 v2, v2;
	v3 =	vadd.f32 $1.000000000e+00, v3;
	_ =	sdelay $0x1  }
0x35: {  	v56 =	vpop (erf);
	v2 =	vmul.f32 v3, v2  }
0x36: {  	v58 =	vmax.f32 v0, $0.0e+00;
	v1 =	vmul.f32 v56, v1  }
0x37: {  	vm0 =	vge.f32 v0, $0.0e+00;
	v57 =	vsub.f32 v6, v55;
	v2 =	vadd.f32 v2, v58  }
0x38: {  	v60 =	vand.u32 $0x8, v7;
	v1 =	vsel vm0, v56, v1  }
0x39: {  	v61 =	vand.u32 $0x4, v7;
	v1 =	vmul.f32 v1, v57;
	v59 =	vsub.f32 v6, v2  }
0x3a: {  	v62 =	vand.u32 $0x2, v7;
	vm13 =	veq.s32 v60, $0x0;
	v2 =	vadd.f32 v2, v55  }
0x3b: {  	vm1 =	veq.s32 v61, $0x0;
	v1 =	vadd.f32 v1, v55;
	v0 =	vsel vm13, v0, v59  }
0x3c: {  	v63 =	vand.u32 $0x1, v7;
	vm14 =	veq.s32 v62, $0x0;
	v0 =	vsel vm1, v0, v2  }
0x3d: {  	vm15 =	veq.s32 v63, $0x0;
	v0 =	vsel vm14, v0, v1  }
0x3e: {  	v0 =	vsel vm15, v0, v55  }
0x3f: {  	s30 =	simm.s32 $0x200;
	s31 =	simm.s32 $0x2;
	s3 =	sadd.s32 s3, s4;
	[tilespmem:$0x200] =	vst v0  }
0x40: {  	[hbm4b:s3+s2] =	stream.linear.scatter [tilespmem:s30], [sflag:$0x2], $0x10, $0x38;
	[tilespmem:$0x280] =	vst v63  }
0x41: {  	_ =	swait.ge [sflag:s31], $0x10  }
0x42: {  	[sflag:s31] =	ssyncset.done $0x0  }
0x43: {  	[sflag:s31] =	ssyncadd.s32 $0xFFFFFFF0  }
.LBB2_2:
0x44: {  	_ =	sfence.sel $0x180000  }
0x45: {  	[bflag:$0x0] =	sbarrier.arrive $0xFFFF  }
0x46: {  	p0 =	sne.s32 s1, $0x0;
	_ =	strace $0x90000047  }
0x47: {  	s0 =	sadd.s32 @!p0 $0x100000, s0;
	[bflag:$0x2] =	sbarrier.arrive $0xFFFF  }
0x48: {  	[sflag:s0] =	ssyncadd.tile.s32 @!p0 $0x1;
	_ =	shalt  }
.Lfunc_end2:
_tile_overlayer_lowered:
.L_overlay_start_2:
0x49: {  	(tag) =	ssettag $0x2  }
0x4a: {  	s0 =	rddreg [dreg:$0x0];
	s2 =	stileid.u32  }
0x4b: {  	s1 =	rddreg [dreg:$0x1];
	p0 =	sne.s32 s2, $0x0  }
0x4c: {  	s3 =	rddreg [dreg:$0x2];
	[bflag:$0x3] =	sbarrier.arrive $0xFFFF;
	s2 =	simm.s32 @!p0 $0x1C02  }
0x4d: {  	[timem:s3], [sflag:s2] =	dma.local @!p0 [hbm:s0], s1  }
0x4e: {  	s0 =	simm.s32 @!p0 $0x2  }
0x4f: {  	_ =	swait.ge @!p0 [sflag:s0], s1  }
0x50: {  	s1 =	ssub.s32 @!p0 $0x0, s1;
	[sflag:s0] =	ssyncset.done @!p0 $0x0  }
0x51: {  	[sflag:s0] =	ssyncadd.s32 @!p0 s1  }
0x52: {  	[bflag:$0x3] =	sbarrier.arrive $0xFFFF  }
0x53: {  	_ =	shalt  }

</sc_bundles>
